<compile_context>
chip_gen: v7x
topology: tpu7x:2x2x1
jax: 0.10.2.dev20260603
libtpu: 0.0.44.dev20260713+nightly
codegen_flags: <defaults>
</compile_context>

<pallas_src>
import functools
import numpy as np
import jax
import jax.numpy as jnp
from jax import lax
from jax.experimental import pallas as pl
from jax.experimental.pallas import tpu as pltpu

N_NOISE = 64
NUM_NEG = 128
N_ORIENT = 3
T = 0.07
WEIGHT_NOISE = 0.005
EPS = 100000.0
NEG_CONST = float(-np.log(WEIGHT_NOISE))


def _loss_body(xg_ref, bankT_ref, adjf_ref, vo_ref, vis_ref, o1_ref, o2_ref, o3_ref):
    xg = xg_ref[0]
    ssq = jnp.sum(xg * xg, axis=1, keepdims=True)
    inv = 1.0 / jnp.maximum(jnp.sqrt(ssq), 1e-12)
    feats = xg * inv
    sim = jnp.dot(feats, bankT_ref[...], preferred_element_type=jnp.float32)
    invT = 1.0 / T
    simk = sim[:512, :]
    simn = sim[512:, :]

    rows = jax.lax.broadcasted_iota(jnp.int32, (512, 512), 0)
    cols = jax.lax.broadcasted_iota(jnp.int32, (512, 512), 1)
    noneye = (rows != cols).astype(jnp.float32)
    eye = 1.0 - noneye
    adjm = EPS * (adjf_ref[...] * noneye)

    l0 = simk[:, 0:512] * invT - adjm
    l1 = simk[:, 512:1024] * invT - adjm
    l2 = simk[:, 1024:1536] * invT - adjm
    l3 = simk[:, 1536:1664] * invT - NEG_CONST

    m01 = jnp.maximum(jnp.max(l0, axis=1), jnp.max(l1, axis=1))
    m23 = jnp.maximum(jnp.max(l2, axis=1), jnp.max(l3, axis=1))
    m = jnp.maximum(m01, m23)[:, None]
    se = (jnp.sum(jnp.exp(l0 - m), axis=1) + jnp.sum(jnp.exp(l1 - m), axis=1)
          + jnp.sum(jnp.exp(l2 - m), axis=1) + jnp.sum(jnp.exp(l3 - m), axis=1))
    lse = m[:, 0] + jnp.log(se)

    d0 = jnp.sum(l0 * eye, axis=1)
    d1 = jnp.sum(l1 * eye, axis=1)
    d2 = jnp.sum(l2 * eye, axis=1)
    vo = vo_ref[0, 0]
    dlab = jnp.where(vo == 0, d0, jnp.where(vo == 1, d1, d2))
    nll = lse - dlab
    vis = vis_ref[0, 0]

    snll = jnp.sum(nll * vis)
    svis = jnp.sum(vis)
    snoise = jnp.sum(simn[:, :1536]) * invT

    o1_ref[...] = jnp.full((1, 1, 128), snll, dtype=jnp.float32)
    o2_ref[...] = jnp.full((1, 1, 128), svis, dtype=jnp.float32)
    o3_ref[...] = jnp.full((1, 1, 128), snoise, dtype=jnp.float32)


def kernel(coke_features, keypoint_positions, has_smpl, iskpvisible, feature_bank,
           adj_mat, vert_orients, bg_mask):
    n, c, h, w = coke_features.shape
    k = keypoint_positions.shape[1]
    hw = h * w
    r = keypoint_positions[:, :, 0]
    col = keypoint_positions[:, :, 1]
    invisible = (r < 0) | (col < 0) | (r > h - 1) | (col > w - 1)
    vis = iskpvisible.astype(jnp.float32) * (~invisible).astype(jnp.float32)
    r = jnp.where(invisible, 0, r)
    col = jnp.where(invisible, 0, col)
    vis = jnp.where((has_smpl == 0)[:, None], 0.0, vis)
    kp_idx = r * w + col

    onehot_r = (jnp.arange(h)[None, :, None] == r[:, None, :]).astype(jnp.float32)
    onehot_c = (jnp.arange(w)[None, None, :] == col[:, :, None]).astype(jnp.float32)
    hits = jnp.einsum('nrk,nkc->nrc', onehot_r, onehot_c)
    mask = jnp.where(hits.reshape(n, hw) == 0, bg_mask.reshape(n, -1), 0.0)
    logw = jnp.where(mask > 0, jnp.log(jnp.maximum(mask, 1e-12)), -1e9)
    u = jax.random.uniform(jax.random.key(1), (n, hw), minval=1e-6, maxval=1.0 - 1e-6)
    g = -jnp.log(-jnp.log(u))
    _, noise_idx = jax.lax.top_k(logw + g, N_NOISE)
    all_idx = jnp.concatenate([kp_idx, noise_idx], axis=1)

    X = coke_features.reshape(n, c, hw).transpose(0, 2, 1)
    idx_full = jnp.broadcast_to(all_idx[:, :, None], (n, all_idx.shape[1], c))
    xg = jnp.take_along_axis(X, idx_full, axis=1)

    bankT = feature_bank.T
    adjf = adj_mat[0].astype(jnp.float32)
    vo3 = vert_orients.astype(jnp.int32).reshape(n, 1, k)
    vis3 = vis.reshape(n, 1, k)

    grid = (n,)
    o1, o2, o3 = pl.pallas_call(
        _loss_body,
        grid=grid,
        in_specs=[
            pl.BlockSpec((1, k + N_NOISE, c), lambda i: (i, 0, 0)),
            pl.BlockSpec((c, 1664), lambda i: (0, 0)),
            pl.BlockSpec((k, k), lambda i: (0, 0)),
            pl.BlockSpec((1, 1, k), lambda i: (i, 0, 0)),
            pl.BlockSpec((1, 1, k), lambda i: (i, 0, 0)),
        ],
        out_specs=[
            pl.BlockSpec((1, 1, 128), lambda i: (i, 0, 0)),
            pl.BlockSpec((1, 1, 128), lambda i: (i, 0, 0)),
            pl.BlockSpec((1, 1, 128), lambda i: (i, 0, 0)),
        ],
        out_shape=[
            jax.ShapeDtypeStruct((n, 1, 128), jnp.float32),
            jax.ShapeDtypeStruct((n, 1, 128), jnp.float32),
            jax.ShapeDtypeStruct((n, 1, 128), jnp.float32),
        ],
    )(xg, bankT, adjf, vo3, vis3)

    snll = jnp.sum(o1[:, 0, 0])
    svis = jnp.sum(o2[:, 0, 0])
    snoise = jnp.sum(o3[:, 0, 0])
    loss_c = snll / jnp.maximum(svis, 1.0)
    loss_n = snoise / (n * N_NOISE * N_ORIENT * k)
    return loss_c + loss_n

# --- scband reference (transcript-rebuilt; emitter-appended) ---
"""Pipeline reference for scband-co-ke-loss-vo-ge-37271726195145 (READ-ONLY COPY).

The authoritative reference and input builder live on the scoring server;
editing this copy changes nothing except your own understanding.
"""

import jax, jax.numpy as jnp
import numpy as np

N_NOISE = 64
NUM_NEG = 128
N_ORIENT = 3
T = 0.07
WEIGHT_NOISE = 0.005
EPS = 100000.0
LOSS_C_W = 1.0
LOSS_N_W = 1.0


def setup_inputs(seed: int = 0) -> dict:
    key = jax.random.key(seed)
    ks = jax.random.split(key, 8)
    coke_features = jax.random.normal(ks[0], (8, 32, 256, 256), dtype=jnp.float32)
    keypoint_positions = jax.random.randint(ks[1], (8, 512, 2), 0, 256)
    has_smpl = jax.random.randint(ks[2], (8,), 0, 2)
    iskpvisible = jax.random.randint(ks[3], (8, 512), 0, 2)
    feature_bank = jax.random.normal(ks[4], (1664, 32), dtype=jnp.float32)
    adj_mat = jax.random.randint(ks[5], (1, 512, 512), 0, 2)
    vert_orients = jax.random.randint(ks[6], (8, 512), 0, 3)
    bg_mask = jax.random.uniform(ks[7], (8, 256, 256), dtype=jnp.float32)
    return {"coke_features": coke_features, "keypoint_positions": keypoint_positions,
            "has_smpl": has_smpl, "iskpvisible": iskpvisible, "feature_bank": feature_bank,
            "adj_mat": adj_mat, "vert_orients": vert_orients, "bg_mask": bg_mask}


def _forward(coke_features, keypoint_positions, has_smpl, iskpvisible, feature_bank,
             adj_mat, vert_orients, bg_mask):
    n, c, h, w = coke_features.shape
    k = keypoint_positions.shape[1]
    hw = h * w
    r = keypoint_positions[:, :, 0]
    col = keypoint_positions[:, :, 1]
    # remove_outside
    invisible = (r < 0) | (col < 0) | (r > h - 1) | (col > w - 1)
    vis = iskpvisible.astype(jnp.float32) * (~invisible).astype(jnp.float32)
    r = jnp.where(invisible, 0, r)
    col = jnp.where(invisible, 0, col)
    vis = jnp.where((has_smpl == 0)[:, None], 0.0, vis)
    # keypoints_to_pixel_index (downsample_rate=1, map_shape=(h,w))
    kp_idx = r * w + col
    # get_noise_pixel_index (noise_on_mask=True): multinomial without replacement via Gumbel top-k
    mask = jnp.ones((n, hw), dtype=jnp.float32)
    bidx = jnp.arange(n)[:, None]
    mask = mask.at[bidx, kp_idx].set(0.0)
    mask = mask * bg_mask.reshape(n, -1)
    logw = jnp.where(mask > 0, jnp.log(jnp.maximum(mask, 1e-12)), -1e9)
    u = jax.random.uniform(jax.random.key(1), (n, hw), minval=1e-6, maxval=1.0 - 1e-6)
    g = -jnp.log(-jnp.log(u))
    _, noise_idx = jax.lax.top_k(logw + g, N_NOISE)
    all_idx = jnp.concatenate([kp_idx, noise_idx], axis=1)
    # sample_keypoint_features: gather + L2 normalize
    X = coke_features.reshape(n, c, hw).transpose(0, 2, 1)  # N x HW x C
    idx_full = jnp.broadcast_to(all_idx[:, :, None], (n, all_idx.shape[1], c))
    feats = jnp.take_along_axis(X, idx_full, axis=1)  # N x (K+noise) x C
    feats = feats / jnp.maximum(jnp.linalg.norm(feats, axis=2, keepdims=True), 1e-12)
    # similarity to feature bank (K*n_orient + num_neg rows)
    sim = jnp.einsum('nmc,vc->nmv', feats, feature_bank)
    # mask_remove_adjacent
    adjf = adj_mat.astype(jnp.float32) * (1.0 - jnp.eye(k, dtype=jnp.float32)[None])
    pos_mask = jnp.tile(adjf, (1, 1, N_ORIENT)) * EPS
    neg_mask = jnp.full((adj_mat.shape[0], k, NUM_NEG), -float(np.log(WEIGHT_NOISE)), dtype=jnp.float32)
    full_mask = jnp.concatenate([pos_mask, neg_mask], axis=2)
    logits = sim[:, :k, :] / T - full_mask
    labels = vert_orients * k + jnp.arange(k)[None, :]
    logp = jax.nn.log_softmax(logits, axis=-1)
    nll = -jnp.take_along_axis(logp, labels[:, :, None].astype(jnp.int32), axis=2)[:, :, 0]
    loss_contrastive = jnp.sum(nll * vis) / jnp.maximum(jnp.sum(vis), 1.0)
    # noise regularization: noise features should not match vertex memory
    loss_noise = jnp.mean(sim[:, k:, :k * N_ORIENT] / T)
    return LOSS_C_W * loss_contrastive + LOSS_N_W * loss_noise


def reference(coke_features, keypoint_positions, has_smpl, iskpvisible, feature_bank,
              adj_mat, vert_orients, bg_mask):
    return _forward(coke_features, keypoint_positions, has_smpl, iskpvisible,
                    feature_bank, adj_mat, vert_orients, bg_mask)

if __name__ == "__main__":
    import jax
    _d = setup_inputs()
    print(jax.jit(kernel)(*tuple(_d.values())))

</pallas_src>

<mosaic_0001>
module attributes {stable_mosaic.version = 14 : i64} {
  func.func @_loss_body(%arg0: i32, %arg1: memref<1x576x32xf32, #tpu.memory_space<vmem>>, %arg2: memref<32x1664xf32, #tpu.memory_space<vmem>>, %arg3: memref<512x512xf32, #tpu.memory_space<vmem>>, %arg4: memref<1x1x512xi32, #tpu.memory_space<vmem>>, %arg5: memref<1x1x512xf32, #tpu.memory_space<vmem>>, %arg6: memref<1x1x128xf32, #tpu.memory_space<vmem>>, %arg7: memref<1x1x128xf32, #tpu.memory_space<vmem>>, %arg8: memref<1x1x128xf32, #tpu.memory_space<vmem>>) attributes {dimension_semantics = [#tpu.dimension_semantics<arbitrary>], iteration_bounds = array<i64: 8>, scalar_prefetch = 0 : i64, scratch_operands = 0 : i64, tpu.core_type = #tpu.core_type<tc>, window_params = [{transform_indices = @transform_0, window_bounds = array<i64: 1, 576, 32>}, {pipeline_mode = #tpu.pipeline_mode<synchronous>, transform_indices = @transform_1, window_bounds = array<i64: 32, 1664>}, {pipeline_mode = #tpu.pipeline_mode<synchronous>, transform_indices = @transform_2, window_bounds = array<i64: 512, 512>}, {transform_indices = @transform_3, window_bounds = array<i64: 1, 1, 512>}, {transform_indices = @transform_4, window_bounds = array<i64: 1, 1, 512>}, {transform_indices = @transform_5, window_bounds = array<i64: 1, 1, 128>}, {transform_indices = @transform_6, window_bounds = array<i64: 1, 1, 128>}, {transform_indices = @transform_7, window_bounds = array<i64: 1, 1, 128>}]} {
    %get3A = arith.constant 0 : index
    %get3A_0 = arith.constant 0 : index
    %get3A_1 = arith.constant 0 : index
    %get3A_2 = vector.load %arg1[%get3A, %get3A_0, %get3A_1] : memref<1x576x32xf32, #tpu.memory_space<vmem>>, vector<1x576x32xf32>
    %get3A_3 = vector.shape_cast %get3A_2 : vector<1x576x32xf32> to vector<576x32xf32>
    %mul3A = arith.mulf %get3A_3, %get3A_3 : vector<576x32xf32>
    %reduce_sum3A = arith.constant dense<0.000000e+00> : vector<576xf32>
    %reduce_sum3A_4 = vector.multi_reduction <add>, %mul3A, %reduce_sum3A [1] : vector<576x32xf32> to vector<576xf32>
    %broadcast_in_dim3A = vector.shape_cast %reduce_sum3A_4 : vector<576xf32> to vector<576x1xf32>
    %sqrt3A = math.sqrt %broadcast_in_dim3A : vector<576x1xf32>
    %max3A = arith.constant 9.99999996E-13 : f32
    %max3A_5 = vector.broadcast %max3A : f32 to vector<576x1xf32>
    %max3A_6 = arith.maximumf %sqrt3A, %max3A_5 : vector<576x1xf32>
    %div3A = arith.constant 1.000000e+00 : f32
    %div3A_7 = vector.broadcast %div3A : f32 to vector<576x1xf32>
    %div3A_8 = arith.divf %div3A_7, %max3A_6 : vector<576x1xf32>
    %mul3A_9 = vector.broadcast %div3A_8 : vector<576x1xf32> to vector<576x32xf32>
    %mul3A_10 = arith.mulf %get3A_3, %mul3A_9 : vector<576x32xf32>
    %get3A_11 = arith.constant 0 : index
    %get3A_12 = arith.constant 0 : index
    %get3A_13 = vector.load %arg2[%get3A_11, %get3A_12] : memref<32x1664xf32, #tpu.memory_space<vmem>>, vector<32x1664xf32>
    %dot_general3A = arith.constant dense<0.000000e+00> : vector<576x1664xf32>
    %dot_general3A_14 = tpu.matmul %mul3A_10, %get3A_13, %dot_general3A {dimension_numbers = #tpu.dot_dimension_numbers<[1], [0], [0], [1], [0, 0, 1, 1], [], []>, transpose_lhs_hint = false} : vector<576x32xf32>, vector<32x1664xf32>, vector<576x1664xf32> -> vector<576x1664xf32>
    %slice3A = vector.extract_strided_slice %dot_general3A_14 {offsets = [0, 0], sizes = [512, 1664], strides = [1, 1]} : vector<576x1664xf32> to vector<512x1664xf32>
    %slice3A_15 = vector.extract_strided_slice %dot_general3A_14 {offsets = [512, 0], sizes = [64, 1664], strides = [1, 1]} : vector<576x1664xf32> to vector<64x1664xf32>
    %iota3A = tpu.iota {dimensions = array<i32: 0>} : vector<512x512xi32>
    %iota3A_16 = tpu.iota {dimensions = array<i32: 1>} : vector<512x512xi32>
    %ne3A = arith.cmpi ne, %iota3A, %iota3A_16 : vector<512x512xi32>
    %convert_element_type3A = arith.extui %ne3A : vector<512x512xi1> to vector<512x512xi32>
    %convert_element_type3A_17 = arith.sitofp %convert_element_type3A : vector<512x512xi32> to vector<512x512xf32>
    %sub3A = arith.constant 1.000000e+00 : f32
    %sub3A_18 = vector.broadcast %sub3A : f32 to vector<512x512xf32>
    %sub3A_19 = arith.subf %sub3A_18, %convert_element_type3A_17 : vector<512x512xf32>
    %get3A_20 = arith.constant 0 : index
    %get3A_21 = arith.constant 0 : index
    %get3A_22 = vector.load %arg3[%get3A_20, %get3A_21] : memref<512x512xf32, #tpu.memory_space<vmem>>, vector<512x512xf32>
    %mul3A_23 = arith.mulf %get3A_22, %convert_element_type3A_17 : vector<512x512xf32>
    %mul3A_24 = arith.constant 1.000000e+05 : f32
    %mul3A_25 = vector.broadcast %mul3A_24 : f32 to vector<512x512xf32>
    %mul3A_26 = arith.mulf %mul3A_25, %mul3A_23 : vector<512x512xf32>
    %slice3A_27 = vector.extract_strided_slice %slice3A {offsets = [0, 0], sizes = [512, 512], strides = [1, 1]} : vector<512x1664xf32> to vector<512x512xf32>
    %mul3A_28 = arith.constant 14.2857141 : f32
    %mul3A_29 = vector.broadcast %mul3A_28 : f32 to vector<512x512xf32>
    %mul3A_30 = arith.mulf %slice3A_27, %mul3A_29 : vector<512x512xf32>
    %sub3A_31 = arith.subf %mul3A_30, %mul3A_26 : vector<512x512xf32>
    %slice3A_32 = vector.extract_strided_slice %slice3A {offsets = [0, 512], sizes = [512, 512], strides = [1, 1]} : vector<512x1664xf32> to vector<512x512xf32>
    %mul3A_33 = arith.constant 14.2857141 : f32
    %mul3A_34 = vector.broadcast %mul3A_33 : f32 to vector<512x512xf32>
    %mul3A_35 = arith.mulf %slice3A_32, %mul3A_34 : vector<512x512xf32>
    %sub3A_36 = arith.subf %mul3A_35, %mul3A_26 : vector<512x512xf32>
    %slice3A_37 = vector.extract_strided_slice %slice3A {offsets = [0, 1024], sizes = [512, 512], strides = [1, 1]} : vector<512x1664xf32> to vector<512x512xf32>
    %mul3A_38 = arith.constant 14.2857141 : f32
    %mul3A_39 = vector.broadcast %mul3A_38 : f32 to vector<512x512xf32>
    %mul3A_40 = arith.mulf %slice3A_37, %mul3A_39 : vector<512x512xf32>
    %sub3A_41 = arith.subf %mul3A_40, %mul3A_26 : vector<512x512xf32>
    %slice3A_42 = vector.extract_strided_slice %slice3A {offsets = [0, 1536], sizes = [512, 128], strides = [1, 1]} : vector<512x1664xf32> to vector<512x128xf32>
    %mul3A_43 = arith.constant 14.2857141 : f32
    %mul3A_44 = vector.broadcast %mul3A_43 : f32 to vector<512x128xf32>
    %mul3A_45 = arith.mulf %slice3A_42, %mul3A_44 : vector<512x128xf32>
    %sub3A_46 = arith.constant 5.29831743 : f32
    %sub3A_47 = vector.broadcast %sub3A_46 : f32 to vector<512x128xf32>
    %sub3A_48 = arith.subf %mul3A_45, %sub3A_47 : vector<512x128xf32>
    %reduce_max3A = arith.constant dense<0xFF800000> : vector<512xf32>
    %reduce_max3A_49 = vector.multi_reduction <maximumf>, %sub3A_31, %reduce_max3A [1] : vector<512x512xf32> to vector<512xf32>
    %reduce_max3A_50 = arith.constant dense<0xFF800000> : vector<512xf32>
    %reduce_max3A_51 = vector.multi_reduction <maximumf>, %sub3A_36, %reduce_max3A_50 [1] : vector<512x512xf32> to vector<512xf32>
    %max3A_52 = arith.maximumf %reduce_max3A_49, %reduce_max3A_51 : vector<512xf32>
    %reduce_max3A_53 = arith.constant dense<0xFF800000> : vector<512xf32>
    %reduce_max3A_54 = vector.multi_reduction <maximumf>, %sub3A_41, %reduce_max3A_53 [1] : vector<512x512xf32> to vector<512xf32>
    %reduce_max3A_55 = arith.constant dense<0xFF800000> : vector<512xf32>
    %reduce_max3A_56 = vector.multi_reduction <maximumf>, %sub3A_48, %reduce_max3A_55 [1] : vector<512x128xf32> to vector<512xf32>
    %max3A_57 = arith.maximumf %reduce_max3A_54, %reduce_max3A_56 : vector<512xf32>
    %max3A_58 = arith.maximumf %max3A_52, %max3A_57 : vector<512xf32>
    %broadcast_in_dim3A_59 = vector.shape_cast %max3A_58 : vector<512xf32> to vector<512x1xf32>
    %sub3A_60 = vector.broadcast %broadcast_in_dim3A_59 : vector<512x1xf32> to vector<512x512xf32>
    %sub3A_61 = arith.subf %sub3A_31, %sub3A_60 : vector<512x512xf32>
    %exp3A = math.exp %sub3A_61 : vector<512x512xf32>
    %reduce_sum3A_62 = arith.constant dense<0.000000e+00> : vector<512xf32>
    %reduce_sum3A_63 = vector.multi_reduction <add>, %exp3A, %reduce_sum3A_62 [1] : vector<512x512xf32> to vector<512xf32>
    %sub3A_64 = vector.broadcast %broadcast_in_dim3A_59 : vector<512x1xf32> to vector<512x512xf32>
    %sub3A_65 = arith.subf %sub3A_36, %sub3A_64 : vector<512x512xf32>
    %exp3A_66 = math.exp %sub3A_65 : vector<512x512xf32>
    %reduce_sum3A_67 = arith.constant dense<0.000000e+00> : vector<512xf32>
    %reduce_sum3A_68 = vector.multi_reduction <add>, %exp3A_66, %reduce_sum3A_67 [1] : vector<512x512xf32> to vector<512xf32>
    %add3A = arith.addf %reduce_sum3A_63, %reduce_sum3A_68 : vector<512xf32>
    %sub3A_69 = vector.broadcast %broadcast_in_dim3A_59 : vector<512x1xf32> to vector<512x512xf32>
    %sub3A_70 = arith.subf %sub3A_41, %sub3A_69 : vector<512x512xf32>
    %exp3A_71 = math.exp %sub3A_70 : vector<512x512xf32>
    %reduce_sum3A_72 = arith.constant dense<0.000000e+00> : vector<512xf32>
    %reduce_sum3A_73 = vector.multi_reduction <add>, %exp3A_71, %reduce_sum3A_72 [1] : vector<512x512xf32> to vector<512xf32>
    %add3A_74 = arith.addf %add3A, %reduce_sum3A_73 : vector<512xf32>
    %sub3A_75 = vector.broadcast %broadcast_in_dim3A_59 : vector<512x1xf32> to vector<512x128xf32>
    %sub3A_76 = arith.subf %sub3A_48, %sub3A_75 : vector<512x128xf32>
    %exp3A_77 = math.exp %sub3A_76 : vector<512x128xf32>
    %reduce_sum3A_78 = arith.constant dense<0.000000e+00> : vector<512xf32>
    %reduce_sum3A_79 = vector.multi_reduction <add>, %exp3A_77, %reduce_sum3A_78 [1] : vector<512x128xf32> to vector<512xf32>
    %add3A_80 = arith.addf %add3A_74, %reduce_sum3A_79 : vector<512xf32>
    %squeeze3A = vector.shape_cast %broadcast_in_dim3A_59 : vector<512x1xf32> to vector<512xf32>
    %log3A = math.log %add3A_80 : vector<512xf32>
    %add3A_81 = arith.addf %squeeze3A, %log3A : vector<512xf32>
    %mul3A_82 = arith.mulf %sub3A_31, %sub3A_19 : vector<512x512xf32>
    %reduce_sum3A_83 = arith.constant dense<0.000000e+00> : vector<512xf32>
    %reduce_sum3A_84 = vector.multi_reduction <add>, %mul3A_82, %reduce_sum3A_83 [1] : vector<512x512xf32> to vector<512xf32>
    %mul3A_85 = arith.mulf %sub3A_36, %sub3A_19 : vector<512x512xf32>
    %reduce_sum3A_86 = arith.constant dense<0.000000e+00> : vector<512xf32>
    %reduce_sum3A_87 = vector.multi_reduction <add>, %mul3A_85, %reduce_sum3A_86 [1] : vector<512x512xf32> to vector<512xf32>
    %mul3A_88 = arith.mulf %sub3A_41, %sub3A_19 : vector<512x512xf32>
    %reduce_sum3A_89 = arith.constant dense<0.000000e+00> : vector<512xf32>
    %reduce_sum3A_90 = vector.multi_reduction <add>, %mul3A_88, %reduce_sum3A_89 [1] : vector<512x512xf32> to vector<512xf32>
    %get3A_91 = arith.constant 0 : index
    %get3A_92 = arith.constant 0 : index
    %get3A_93 = arith.constant 0 : index
    %get3A_94 = vector.load %arg4[%get3A_91, %get3A_92, %get3A_93] : memref<1x1x512xi32, #tpu.memory_space<vmem>>, vector<1x1x512xi32>
    %get3A_95 = vector.shape_cast %get3A_94 : vector<1x1x512xi32> to vector<512xi32>
    %eq3A = arith.constant 0 : i32
    %eq3A_96 = vector.broadcast %eq3A : i32 to vector<512xi32>
    %eq3A_97 = arith.cmpi eq, %get3A_95, %eq3A_96 : vector<512xi32>
    %eq3A_98 = arith.constant 1 : i32
    %eq3A_99 = vector.broadcast %eq3A_98 : i32 to vector<512xi32>
    %eq3A_100 = arith.cmpi eq, %get3A_95, %eq3A_99 : vector<512xi32>
    %select_n3A = arith.select %eq3A_100, %reduce_sum3A_87, %reduce_sum3A_90 : vector<512xi1>, vector<512xf32>
    %select_n3A_101 = arith.select %eq3A_97, %reduce_sum3A_84, %select_n3A : vector<512xi1>, vector<512xf32>
    %sub3A_102 = arith.subf %add3A_81, %select_n3A_101 : vector<512xf32>
    %get3A_103 = arith.constant 0 : index
    %get3A_104 = arith.constant 0 : index
    %get3A_105 = arith.constant 0 : index
    %get3A_106 = vector.load %arg5[%get3A_103, %get3A_104, %get3A_105] : memref<1x1x512xf32, #tpu.memory_space<vmem>>, vector<1x1x512xf32>
    %get3A_107 = vector.shape_cast %get3A_106 : vector<1x1x512xf32> to vector<512xf32>
    %mul3A_108 = arith.mulf %sub3A_102, %get3A_107 : vector<512xf32>
    %reduce_sum3A_109 = vector.shape_cast %mul3A_108 : vector<512xf32> to vector<1x512xf32>
    %reduce_sum3A_110 = arith.constant dense<0.000000e+00> : vector<1xf32>
    %reduce_sum3A_111 = vector.multi_reduction <add>, %reduce_sum3A_109, %reduce_sum3A_110 [1] : vector<1x512xf32> to vector<1xf32>
    %reduce_sum3A_112 = vector.shape_cast %reduce_sum3A_111 : vector<1xf32> to vector<1x1xf32>
    %reduce_sum3A_113 = vector.extract %reduce_sum3A_112[0, 0] : f32 from vector<1x1xf32>
    %reduce_sum3A_114 = vector.shape_cast %get3A_107 : vector<512xf32> to vector<1x512xf32>
    %reduce_sum3A_115 = arith.constant dense<0.000000e+00> : vector<1xf32>
    %reduce_sum3A_116 = vector.multi_reduction <add>, %reduce_sum3A_114, %reduce_sum3A_115 [1] : vector<1x512xf32> to vector<1xf32>
    %reduce_sum3A_117 = vector.shape_cast %reduce_sum3A_116 : vector<1xf32> to vector<1x1xf32>
    %reduce_sum3A_118 = vector.extract %reduce_sum3A_117[0, 0] : f32 from vector<1x1xf32>
    %slice3A_119 = vector.extract_strided_slice %slice3A_15 {offsets = [0, 0], sizes = [64, 1536], strides = [1, 1]} : vector<64x1664xf32> to vector<64x1536xf32>
    %reduce_sum3A_120 = vector.shape_cast %slice3A_119 : vector<64x1536xf32> to vector<1x64x1536xf32>
    %reduce_sum3A_121 = arith.constant dense<0.000000e+00> : vector<1xf32>
    %reduce_sum3A_122 = vector.multi_reduction <add>, %reduce_sum3A_120, %reduce_sum3A_121 [1, 2] : vector<1x64x1536xf32> to vector<1xf32>
    %reduce_sum3A_123 = vector.shape_cast %reduce_sum3A_122 : vector<1xf32> to vector<1x1x1xf32>
    %reduce_sum3A_124 = vector.extract %reduce_sum3A_123[0, 0, 0] : f32 from vector<1x1x1xf32>
    %mul3A_125 = arith.constant 14.2857141 : f32
    %mul3A_126 = arith.mulf %reduce_sum3A_124, %mul3A_125 : f32
    %broadcast_in_dim3A_127 = vector.broadcast %reduce_sum3A_113 : f32 to vector<1x1x128xf32>
    %swap3A = arith.constant 0 : index
    %swap3A_128 = arith.constant 0 : index
    %swap3A_129 = arith.constant 0 : index
    %swap3A_130 = vector.load %arg6[%swap3A, %swap3A_128, %swap3A_129] : memref<1x1x128xf32, #tpu.memory_space<vmem>>, vector<1x1x128xf32>
    tpu.vector_store %arg6[%swap3A, %swap3A_128, %swap3A_129], %broadcast_in_dim3A_127 {strides = array<i32>} : memref<1x1x128xf32, #tpu.memory_space<vmem>>, vector<1x1x128xf32>,
    %broadcast_in_dim3A_131 = vector.broadcast %reduce_sum3A_118 : f32 to vector<1x1x128xf32>
    %swap3A_132 = arith.constant 0 : index
    %swap3A_133 = arith.constant 0 : index
    %swap3A_134 = arith.constant 0 : index
    %swap3A_135 = vector.load %arg7[%swap3A_132, %swap3A_133, %swap3A_134] : memref<1x1x128xf32, #tpu.memory_space<vmem>>, vector<1x1x128xf32>
    tpu.vector_store %arg7[%swap3A_132, %swap3A_133, %swap3A_134], %broadcast_in_dim3A_131 {strides = array<i32>} : memref<1x1x128xf32, #tpu.memory_space<vmem>>, vector<1x1x128xf32>,
    %broadcast_in_dim3A_136 = vector.broadcast %mul3A_126 : f32 to vector<1x1x128xf32>
    %swap3A_137 = arith.constant 0 : index
    %swap3A_138 = arith.constant 0 : index
    %swap3A_139 = arith.constant 0 : index
    %swap3A_140 = vector.load %arg8[%swap3A_137, %swap3A_138, %swap3A_139] : memref<1x1x128xf32, #tpu.memory_space<vmem>>, vector<1x1x128xf32>
    tpu.vector_store %arg8[%swap3A_137, %swap3A_138, %swap3A_139], %broadcast_in_dim3A_136 {strides = array<i32>} : memref<1x1x128xf32, #tpu.memory_space<vmem>>, vector<1x1x128xf32>,
    return
  }
  func.func @transform_0(%arg0: i32) -> (i32, i32, i32) {
    %c0_i32 = arith.constant 0 : i32
    %c0_i32_0 = arith.constant 0 : i32
    %c0_i32_1 = arith.constant 0 : i32
    return %arg0, %c0_i32, %c0_i32_0 : i32, i32, i32
  }
  func.func @transform_1(%arg0: i32) -> (i32, i32) {
    %c0_i32 = arith.constant 0 : i32
    %c0_i32_0 = arith.constant 0 : i32
    %c0_i32_1 = arith.constant 0 : i32
    return %c0_i32, %c0_i32_0 : i32, i32
  }
  func.func @transform_2(%arg0: i32) -> (i32, i32) {
    %c0_i32 = arith.constant 0 : i32
    %c0_i32_0 = arith.constant 0 : i32
    %c0_i32_1 = arith.constant 0 : i32
    return %c0_i32, %c0_i32_0 : i32, i32
  }
  func.func @transform_3(%arg0: i32) -> (i32, i32, i32) {
    %c0_i32 = arith.constant 0 : i32
    %c0_i32_0 = arith.constant 0 : i32
    %c0_i32_1 = arith.constant 0 : i32
    return %arg0, %c0_i32, %c0_i32_0 : i32, i32, i32
  }
  func.func @transform_4(%arg0: i32) -> (i32, i32, i32) {
    %c0_i32 = arith.constant 0 : i32
    %c0_i32_0 = arith.constant 0 : i32
    %c0_i32_1 = arith.constant 0 : i32
    return %arg0, %c0_i32, %c0_i32_0 : i32, i32, i32
  }
  func.func @transform_5(%arg0: i32) -> (i32, i32, i32) {
    %c0_i32 = arith.constant 0 : i32
    %c0_i32_0 = arith.constant 0 : i32
    %c0_i32_1 = arith.constant 0 : i32
    return %arg0, %c0_i32, %c0_i32_0 : i32, i32, i32
  }
  func.func @transform_6(%arg0: i32) -> (i32, i32, i32) {
    %c0_i32 = arith.constant 0 : i32
    %c0_i32_0 = arith.constant 0 : i32
    %c0_i32_1 = arith.constant 0 : i32
    return %arg0, %c0_i32, %c0_i32_0 : i32, i32, i32
  }
  func.func @transform_7(%arg0: i32) -> (i32, i32, i32) {
    %c0_i32 = arith.constant 0 : i32
    %c0_i32_0 = arith.constant 0 : i32
    %c0_i32_1 = arith.constant 0 : i32
    return %arg0, %c0_i32, %c0_i32_0 : i32, i32, i32
  }
}

</mosaic_0001>

<sc_bundles>
// kernel: gather_offload_async_start
scs
__scs_entry_jumppad:
0x0: {  	(pc) =	sbr.rel $0x88, $3  }
0x1: {  	(tag) =	ssettag $0x0;
	lr =	simm.s32 $0x1  }
0x2: {  	[smem:$0x3F99] =	sst lr;
	_ =	strace $0xD0000000  }
0x3: {  	_ = 	snop  }
0x4: {  	_ = 	snop  }
0x5: {  	_ = 	snop  }
0x6: {  	_ = 	snop  }
0x7: {  	_ = 	snop  }
__scs_overlays_trampoline_lowered:
0x8: {  	[smem:$0x3FA8] =	sst s0  }
0x9: {  	[smem:$0x3FA9] =	sst s1  }
0xa: {  	[smem:$0x3FAA] =	sst s2  }
0xb: {  	[smem:$0x3FAB] =	sst s3  }
0xc: {  	[smem:$0x3FAC] =	sst s4  }
0xd: {  	[smem:$0x3FAD] =	sst s5  }
0xe: {  	[smem:$0x3FAE] =	sst s6  }
0xf: {  	[smem:$0x3FAF] =	sst s7  }
0x10: {  	[smem:$0x3FB0] =	sst s8  }
0x11: {  	[smem:$0x3FB1] =	sst s9;
	s0 =	simm.s32 @!p0 $0x0  }
0x12: {  	s1 =	sld [smem:$0x3F97];
	s0 =	simm.s32 @p0 $0x1  }
0x13: {  	[smem:$0x3FB2] =	sst s0;
	s0 =	simm.s32 @!p1 $0x0  }
0x14: {  	s2 =	sld [smem:$0x3F96];
	s0 =	simm.s32 @p1 $0x1  }
0x15: {  	[smem:$0x3FB3] =	sst s0;
	s0 =	simm.s32 @!p2 $0x0  }
0x16: {  	s3 =	sld [smem:$0x3FDB];
	s0 =	simm.s32 @p2 $0x1  }
0x17: {  	s4 =	simm.s32 $0x1BF5;
	[smem:$0x3FB5] =	sst s0  }
0x18: {  	s0 =	sld [smem:$0x3F98];
	_ =	swait.ge [sflag:s4], $0x0  }
0x19: {  	s7 =	sld [smem:$0x3F99]  }
0x1a: {  	s8 =	sadd.s32 $0xFFFFE003, lr  }
0x1b: {  	s9 =	sadd.s32 $0xFFFFFEF7, lr;
	s5 =	simm.s32 $0xFFFFFFFF;
	p2 =	slt.u32 s8, $0xFFFFF086  }
0x1c: {  	p1 =	slt.u32 s9, $0xF7A;
	s5 =	simm.s32 @!p2 $0x0  }
0x1d: {  	s5 =	simm.s32 @p1 $0x1;
	p0 =	seq.s32 s7, s2  }
0x1e: {  	s7 =	smul.u32 @!p0 $0xF7A, s2;
	p2 =	seq.s32 @!p0 s5, $0x0  }
0x1f: {  	s9 =	smul.u32 $0xF7A, s1;
	s8 =	simm.s32 @!p0 $0x1BF5;
	p2 =	por !p2, p0  }
0x20: {  	[sflag:s8] =	ssyncset.s32 @!p0 $0xFFFFF086;
	s6 =	sadd.s32 @!p0 s3, s7;
	s7 =	simm.s32 @!p0 $0x108  }
0x21: {  	s3 =	sadd.s32 s3, s9;
	s6 =	sadd.s32 @!p0 $0x88, s6;
	s7 =	simm.s32 @p2 $0x1082  }
0x22: {  	[simem:s7], [sflag:s8] =	dma.local @!p0 [hbm:s6], $0xF7A  }
0x23: {  	s9 =	sor.u32 $0xD0000000, s2;
	s6 =	simm.s32 $0x108;
	_ =	swait.ge @!p0 [sflag:s8], $0x0  }
0x24: {  	s3 =	sadd.s32 $0x88, s3;
	s6 =	simm.s32 @!p1 $0x1082;
	[sflag:s4] =	ssyncset.s32 $0xFFFFF086  }
0x25: {  	[simem:s6], [sflag:s4] =	dma.local [hbm:s3], $0xF7A  }
0x26: {  	[smem:$0x3F99] =	sst s1;
	(tag) =	ssettag s2;
	_ =	strace s9  }
0x27: {  	s1 =	sld [smem:$0x3FA9]  }
0x28: {  	s2 =	sld [smem:$0x3FAA]  }
0x29: {  	s4 =	sld [smem:$0x3FAC]  }
0x2a: {  	p0 =	seq.s32 s5, $0x0;
	s5 =	sld [smem:$0x3FAD]  }
0x2b: {  	s6 =	sld [smem:$0x3FAE]  }
0x2c: {  	s7 =	sld [smem:$0x3FAF]  }
0x2d: {  	s3 =	simm.s32 $0x108;
	s8 =	sld [smem:$0x3FB0]  }
0x2e: {  	s3 =	simm.s32 @!p0 $0x1082;
	s9 =	sld [smem:$0x3FB1]  }
0x2f: {  	lr =	sadd.s32 s0, s3;
	s0 =	sld [smem:$0x3FA8]  }
0x30: {  	s3 =	sld [smem:$0x3FAB]  }
0x31: {  	[smem:$0x3FB4] =	sst s10  }
0x32: {  	s10 =	sld [smem:$0x3FB2];
	_ =	sdelay $0x3  }
0x33: {  	p0 =	seq.s32 s10, $0x1;
	s10 =	sld [smem:$0x3FB4];
	_ =	sdelay $0x3  }
0x34: {  	[smem:$0x3FB4] =	sst s10  }
0x35: {  	s10 =	sld [smem:$0x3FB3];
	_ =	sdelay $0x3  }
0x36: {  	p1 =	seq.s32 s10, $0x1;
	s10 =	sld [smem:$0x3FB4];
	_ =	sdelay $0x3  }
0x37: {  	[smem:$0x3FB4] =	sst s10  }
0x38: {  	s10 =	sld [smem:$0x3FB5]  }
0x39: {  	_ = 	snop;
	(pc) =	sbr.ind lr, $3  }
0x3a: {  	_ = 	snop  }
0x3b: {  	_ = 	snop  }
0x3c: {  	p2 =	seq.s32 s10, $0x1;
	s10 =	sld [smem:$0x3FB4]  }
0x3d: {  	_ =	shalt  }
0x3e: {  	_ =	shalt  }
0x3f: {  	_ =	shalt  }
0x40: {  	_ =	shalt  }
0x41: {  	_ =	shalt  }
0x42: {  	_ =	shalt  }
0x43: {  	_ =	shalt  }
0x44: {  	_ =	shalt  }
0x45: {  	_ =	shalt  }
0x46: {  	_ =	shalt  }
0x47: {  	_ =	shalt  }
0x48: {  	_ =	shalt  }
0x49: {  	_ =	shalt  }
0x4a: {  	_ =	shalt  }
0x4b: {  	_ =	shalt  }
0x4c: {  	_ =	shalt  }
0x4d: {  	_ =	shalt  }
0x4e: {  	_ =	shalt  }
0x4f: {  	_ =	shalt  }
0x50: {  	_ =	shalt  }
0x51: {  	_ =	shalt  }
0x52: {  	_ =	shalt  }
0x53: {  	_ =	shalt  }
0x54: {  	_ =	shalt  }
0x55: {  	_ =	shalt  }
0x56: {  	_ =	shalt  }
0x57: {  	_ =	shalt  }
0x58: {  	_ =	shalt  }
0x59: {  	_ =	shalt  }
0x5a: {  	_ =	shalt  }
0x5b: {  	_ =	shalt  }
0x5c: {  	_ =	shalt  }
0x5d: {  	_ =	shalt  }
0x5e: {  	_ =	shalt  }
0x5f: {  	_ =	shalt  }
0x60: {  	_ =	shalt  }
0x61: {  	_ =	shalt  }
0x62: {  	_ =	shalt  }
0x63: {  	_ =	shalt  }
0x64: {  	_ =	shalt  }
0x65: {  	_ =	shalt  }
0x66: {  	_ =	shalt  }
0x67: {  	_ =	shalt  }
0x68: {  	_ =	shalt  }
0x69: {  	_ =	shalt  }
0x6a: {  	_ =	shalt  }
0x6b: {  	_ =	shalt  }
0x6c: {  	_ =	shalt  }
0x6d: {  	_ =	shalt  }
0x6e: {  	_ =	shalt  }
0x6f: {  	_ =	shalt  }
0x70: {  	_ =	shalt  }
0x71: {  	_ =	shalt  }
0x72: {  	_ =	shalt  }
0x73: {  	_ =	shalt  }
0x74: {  	_ =	shalt  }
0x75: {  	_ =	shalt  }
0x76: {  	_ =	shalt  }
0x77: {  	_ =	shalt  }
0x78: {  	_ =	shalt  }
0x79: {  	_ =	shalt  }
0x7a: {  	_ =	shalt  }
0x7b: {  	_ =	shalt  }
0x7c: {  	_ =	shalt  }
0x7d: {  	_ =	shalt  }
0x7e: {  	_ =	shalt  }
0x7f: {  	_ =	shalt  }
0x80: {  	_ =	shalt  }
0x81: {  	_ =	shalt  }
0x82: {  	_ =	shalt  }
0x83: {  	_ =	shalt  }
0x84: {  	_ =	shalt  }
0x85: {  	_ =	shalt  }
0x86: {  	_ =	shalt  }
0x87: {  	_ =	shalt  }
.Lfunc_end0:
.L_simem_size_0:
called_computation_lowered:
.L_overlay_start_0:
0x88: {  	s2 =	sld [smem:$0x3FD9]  }
0x89: {  	s3 =	sld [smem:$0x3FFE];
	_ =	sdelay $0x1  }
0x8a: {  	s1 =	srdreg.scid  }
0x8b: {  	s0 =	sand.u32 $0x1, s1  }
0x8c: {  	s16 =	sshll.u32 s0, $0xA;
	s2 =	sadd.s32 s3, s2  }
0x8d: {  	s2 =	sadd.s32 s2, s16  }
0x8e: {  	[smem:$0x3FC0] =	sst s2  }
0x8f: {  	_ = 	snop  }
0x90: {  	(tm) =	ssettm $0x1  }
0x91: {  	s17 =	sld [smem:$0x3FFB];
	_ =	sdelay $0x3  }
0x92: {  	_ =	strace s17  }
0x93: {  	s2 =	sld [smem:$0x3FFC];
	_ =	sdelay $0x3  }
0x94: {  	_ =	strace s2  }
0x95: {  	s2 =	sld [smem:$0x3FFD];
	_ =	sdelay $0x3  }
0x96: {  	_ =	strace s2  }
0x97: {  	_ =	strace $0x8FFFFFFF  }
0x98: {  	s18 =	sld [smem:$0x3FDB];
	_ =	sdelay $0x1  }
0x99: {  	s19 =	simm.s32 $_scs_section_size  }
0x9a: {  	s4 =	simm.s32 $_size__tile_overlayer_lowered;
	s5 =	simm.s32 $_tile_overlayer_lowered  }
0x9b: {  	s22 =	simm.s32 $0x1BFF;
	s21 =	sshll.u32 s5, $0x1;
	s2 =	sadd.s32 s19, s18  }
0x9c: {  	s6 =	simm.s32 $0x0;
	s20 =	sshll.u32 s4, $0x1;
	s4 =	sadd.s32 s21, s2  }
0x9d: {  	[timem:s6], [sflag:s22] =	dma.local [hbm:s4], s20  }
0x9e: {  	_ =	swait.ge [sflag:s22], s20  }
0x9f: {  	s3 =	ssub.s32 $0x0, s20;
	[sflag:s22] =	ssyncset.done $0x0  }
0xa0: {  	[sflag:s22] =	ssyncadd.s32 s3;
	_ =	sdelay $0x1  }
0xa1: {  	s23 =	simm.s32 $0x1B8B  }
0xa2: {  	_ =	swait.ge [sflag:s23], $0x1  }
0xa3: {  	[sflag:s23] =	ssyncset.done $0x0  }
0xa4: {  	s25 =	simm.s32 $0x1B8E;
	s24 =	sld [smem:$0x3FFE];
	[sflag:s23] =	ssyncadd.s32 $0xFFFFFFFF  }
0xa5: {  	s26 =	simm.s32 $execute0_lowered;
	[smem:$0x3FD2] =	sst s25  }
0xa6: {  	s4 =	sshll.u32 s26, $0x1;
	_ =	strace $0x80000046;
	[dreg:$0x1] =	wrdreg $0xFFFFFFFF  }
0xa7: {  	s28 =	simm.s32 $_size_execute0_lowered;
	s2 =	sadd.s32 s2, s4;
	[dreg:$0x0] =	wrdreg $0x0  }
0xa8: {  	s4 =	sshll.u32 s28, $0x1;
	[dreg:$0x2] =	wrdreg s2  }
0xa9: {  	[dreg:$0x3] =	wrdreg s4  }
0xaa: {  	[dreg:$0x4] =	wrdreg $0xC0  }
0xab: {  	_ =	task [dreg:s6], $0x5FFFF  }
0xac: {  	[dreg:$0x1] =	wrdreg $0xFFFFFFFF  }
0xad: {  	[dreg:$0x0] =	wrdreg $0x60  }
0xae: {  	[dreg:$0x2] =	wrdreg s24  }
0xaf: {  	[dreg:$0x3] =	wrdreg $0x9  }
0xb0: {  	_ =	task.clear_ibuf [dreg:s6], $0x4FFFF;
	_ =	strace $0x90000046  }
0xb1: {  	s29 =	simm.s32 $0x9;
	_ =	strace $0x80000048  }
0xb2: {  	_ =	swait.ge [sflag:s29], $0x1  }
0xb3: {  	[sflag:s29] =	ssyncadd.s32 $0xFFFFFFFF  }
0xb4: {  	_ =	strace $0x90000048  }
0xb5: {  	_ =	sfence  }
0xb6: {  	s30 =	sld [smem:$0x0];
	_ =	sdelay $0x2  }
0xb7: {  	s31 =	sshll.u32 s1, $0xD;
	s1 =	sshrl.u32 s1, $0x2  }
0xb8: {  	s3 =	sand.u32 $0x4000, s31;
	s1 =	sadd.s32 s1, s30  }
0xb9: {  	s0 =	sor.u32 s3, s0;
	s1 =	sshll.u32 s1, $0x11  }
0xba: {  	s0 =	sor.u32 s1, s0  }
0xbb: {  	s0 =	sadd.s32 $0x8F2B, s0  }
0xbc: {  	[sflag:s0] =	ssyncadd.remote.s32 $0x1  }
0xbd: {  	_ =	sfence.sel $0xFFFF  }
0xbe: {  	[dreg:$0x0] =	wrdreg $0xFFFFFFFF;
	(pc) =	sbr.abs _section_cstart, $3  }
0xbf: {  	[dreg:$0x1] =	wrdreg $0xFFFFFFFF  }
0xc0: {  	_ =	task.clear_ibuf [dreg:s6], $0x2FFFF;
	_ =	strace $0x9FFFFFFF  }
0xc1: {  	(tm) =	ssettm $0x7FFFFFFF  }
tec
execute0_lowered:
.L_overlay_start_1:
0x0: {  	(tag) =	ssettag $0x1  }
0x1: {  	s0 =	srdreg.scid;
	s5 =	rddreg [dreg:$0x0]  }
0x2: {  	s1 =	stileid.u32;
	s6 =	simm.s32 $0x1;
	s9 =	simm.s32 $0x1  }
0x3: {  	s10 =	simm.s32 $0x3;
	s13 =	simm.s32 $0x0;
	s2 =	sshll.u32 s0, $0xC  }
0x4: {  	s12 =	simm.s32 $0x0;
	s3 =	sshll.u32 s1, $0xD;
	s2 =	sand.u32 $0x1000, s2  }
0x5: {  	s0 =	rddreg [dreg:$0x1];
	_ =	strace $0x80000047;
	s2 =	sor.u32 s3, s2  }
0x6: {  	s4 =	sadd.s32 $0xA00, s5;
	[sflag:s6] =	ssyncpa.u1 $0x0;
	s8 =	ssub.s32 $0x24000, s2  }
.Ltmp0:
0x7: {  	s3 =	sadd.s32 $0x5200, s5;
	s7 =	sand.u32 $0x1F000, s8;
	(pc) =	sbr.rel .LBB2_1-.Ltmp0, $4  }
0x8: {  	s5 =	sadd.s32 $0x20D400, s5;
	s11 =	smov.u32 s2;
	p0 =	sne.s32 s7, $0x0  }
0x9: {  	s8 =	sshrl.u32 s8, $0x11;
	s7 =	simm.s32 $0x2;
	s9 =	simm.s32 @!p0 $0x0  }
0xa: {  	[sflag:s7] =	ssyncpa.u1 $0x0;
	p0 =	por $0x0, $0x0;
	s8 =	sadd.s32 s9, s8  }
0xb: {  	vm0 =	vmmov $0xffff;
	[sflag:s10] =	ssyncpa.u1 $0x0;
	s10 =	simm.s32 $0x0;
	s9 =	sadd.s32 $0x1, s8  }
.LBB2_4:
0xc: {  	v3 =	vshrl.u32 v0, $0x3;
	v4 =	vshrl.u32 v0, $0x8;
	v1 =	vor.u32 v1, v2  }
0xd: {  	v62 =	vshll.u32 v0, $0x15;
	v60 =	vand.u32 $0x1F, v3;
	v61 =	vand.u32 $0xFFFF, v4  }
0xe: {  	v0 =	vand.u32 $0xE00000, v62;
	v2 =	vsel vm1, $0xFFFFFFFF, v60;
	v3 =	vsel vm1, $0xFFFFFFFF, v61  }
0xf: {  	v0 =	vsel vm1, $0xFFE00000, v0;
	v63 =	vand.u32 $0x7F, v3;
	v5 =	vshll.u32 v2, $0x10  }
0x10: {  	v3 =	vshll.u32 v3, $0x3;
	v5 =	vand.u32 $0xFFF80000, v5;
	v0 =	vor.u32 v0, v63  }
0x11: {  	v2 =	vshll.u32 v2, $0x7;
	v3 =	vand.u32 $0xFFFFFC00, v3;
	v0 =	vadd.s32 v5, v0  }
0x12: {  	v2 =	vand.u32 $0x380, v2;
	v0 =	vadd.s32 v3, v0  }
0x13: {  	v0 =	vor.u32 v2, v0;
	_ =	sdelay $0x1  }
0x14: {  	(ifvalue) =	ssetifvalue $0x7FFFFFFF;
	s14 =	sadd.s32 $0x10, s14  }
0x15: {  	[tilespmem:s14], [sflag:$0x1] =	stream.indirect_vreg.gather [hbm4b:s3+s10], $0x1, v1, vm0, $0x4038;
	[tilespmem:$0x4000] =	vst v63  }
0x16: {  	(ifvalue) =	ssetifvalue $0x7FFFFFFF;
	s14 =	sadd.s32 $0x10, s14  }
0x17: {  	[tilespmem:s14], [sflag:$0x1] =	stream.indirect_vreg.gather [hbm4b:s3+s10], $0x1, v0, vm0, $0x4038;
	[tilespmem:$0x4000] =	vst v63  }
0x18: {  	_ =	swait.ge [sflag:s6], $0x1000  }
0x19: {  	s30 =	sshrl.u32 s13, $0x3;
	[sflag:s6] =	ssyncset.done $0x0  }
0x1a: {  	s31 =	sand.u32 $0x7, s13;
	s14 =	sadd.s32 s5, s30;
	[sflag:s6] =	ssyncadd.s32 $0xFFFFF000  }
0x1b: {  	[hbm4b:s14+s31] =	stream.linear.scatter [tilespmem:s15], [sflag:$0x3], $0x1000, $0x38;
	[tilespmem:$0x4000] =	vst v63  }
.LBB2_5:
0x1c: {  	s15 =	sadd.s32 $0x20000, s11  }
0x1d: {  	p2 =	sgt.s32 s15, $0x23FFF  }
0x1e: {  	s15 =	smov.u32 @p2 s2;
	p2 =	sne.s32 s12, s9  }
.Ltmp1:
0x1f: {  	p1 =	slt.u32 s12, $0x2;
	(pc) =	sbr.rel @!p2 .LBB2_6-.Ltmp1, $4  }
0x20: {  	s14 =	simm.s32 @!p1 $0x3  }
0x21: {  	s16 =	sadd.s32 $0x1, s12;
	_ =	swait.ge @!p1 [sflag:s14], $0x1000  }
0x22: {  	s13 =	smov.u32 s11;
	p0 =	por !p0, !p0;
	[sflag:s14] =	ssyncset.done @!p1 $0x0  }
0x23: {  	s12 =	smov.u32 s16;
	s11 =	smov.u32 s15;
	[sflag:s14] =	ssyncadd.s32 @!p1 $0xFFFFF000  }
.LBB2_1:
0x24: {  	p1 =	sge.u32 s12, s8  }
0x25: {  	s14 =	sxor.u32 @!p1 $0xFFFFFFFF, s12  }
0x26: {  	s31 =	sadd.s32 $0xFFFFFFFF, s12;
	s15 =	sshrl.u32 @!p1 s11, $0x3;
	s14 =	sshll.u32 @!p1 s14, $0xC  }
0x27: {  	s16 =	sand.u32 @!p1 $0x7, s11;
	s15 =	sadd.s32 @!p1 s4, s15;
	s14 =	sand.u32 @!p1 $0x1000, s14  }
0x28: {  	[tilespmem:s14], [sflag:$0x2] =	stream.linear.gather @!p1 [hbm4b:s15+s16], $0x1000, $0x38;
	[tilespmem:$0x4000] =	vst v63  }
0x29: {  	p1 =	sge.u32 s31, s8  }
.Ltmp2:
0x2a: {  	_ = 	snop;
	(pc) =	sbr.rel @p1 .LBB2_5-.Ltmp2, $1  }
0x2b: {  	_ =	sdelay $0x3  }
0x2c: {  	s14 =	simm.s32 $0x1  }
0x2d: {  	_ =	swait.ge [sflag:s7], $0x1000;
	s14 =	simm.s32 @!p0 $0x0  }
0x2e: {  	[sflag:s7] =	ssyncset.done $0x0;
	s14 =	sshll.u32 s14, $0xC  }
0x2f: {  	[sflag:s7] =	ssyncadd.s32 $0xFFFFF000;
	(ifvalue) =	ssetifvalue $0x7FFFFFFF;
	v0 =	vld.msk [tilespmem:s14+$0x0 ss:$0x1], $0xffff;
	_ =	sdelay $0x4  }
0x30: {  	s15 =	sadd.s32 $0x10, s14;
	vm1 =	veq.s32 v0, $0x80000000;
	v1 =	vshrl.u32 v0, $0x3;
	v2 =	vshrl.u32 v0, $0x8  }
0x31: {  	v3 =	vld.msk [tilespmem:s15+$0x0 ss:$0x1], $0xffff;
	v0 =	vshll.u32 v0, $0x15;
	v1 =	vand.u32 $0x1F, v1;
	v2 =	vand.u32 $0xFFFF, v2  }
0x32: {  	v0 =	vand.u32 $0xE00000, v0;
	v1 =	vsel vm1, $0xFFFFFFFF, v1;
	v2 =	vsel vm1, $0xFFFFFFFF, v2  }
0x33: {  	v0 =	vsel vm1, $0xFFE00000, v0;
	v4 =	vand.u32 $0x7F, v2;
	v5 =	vshll.u32 v1, $0x10  }
0x34: {  	v2 =	vshll.u32 v2, $0x3;
	v5 =	vand.u32 $0xFFF80000, v5;
	v0 =	vor.u32 v0, v4  }
0x35: {  	v1 =	vshll.u32 v1, $0x7;
	v2 =	vand.u32 $0xFFFFFC00, v2;
	v0 =	vadd.s32 v5, v0  }
0x36: {  	v62 =	vshrl.u32 v3, $0x8;
	v1 =	vand.u32 $0x380, v1;
	v0 =	vadd.s32 v2, v0  }
0x37: {  	s17 =	sadd.s32 $0x10, s15;
	vm1 =	veq.s32 v3, $0x80000000;
	v2 =	vshrl.u32 v3, $0x3;
	v1 =	vor.u32 v1, v0  }
0x38: {  	v4 =	vand.u32 $0xFFFF, v62;
	v3 =	vshll.u32 v3, $0x15;
	v0 =	vld.msk [tilespmem:s17+$0x0 ss:$0x1], $0xffff;
	v2 =	vand.u32 $0x1F, v2  }
0x39: {  	v4 =	vsel vm1, $0xFFFFFFFF, v4;
	v3 =	vand.u32 $0xE00000, v3;
	v2 =	vsel vm1, $0xFFFFFFFF, v2  }
0x3a: {  	s31 =	sshll.u32 s12, $0xC;
	v63 =	vand.u32 $0x7F, v4;
	v3 =	vsel vm1, $0xFFE00000, v3;
	v6 =	vshll.u32 v2, $0x10  }
0x3b: {  	s14 =	sor.u32 $0x2000, s14;
	s15 =	sand.u32 $0x1000, s31;
	v4 =	vshll.u32 v4, $0x3;
	(ifvalue) =	ssetifvalue $0x7FFFFFFF;
	v3 =	vor.u32 v3, v63;
	v6 =	vand.u32 $0xFFF80000, v6  }
0x3c: {  	v4 =	vand.u32 $0xFFFFFC00, v4;
	[tilespmem:s14], [sflag:$0x1] =	stream.indirect_vreg.gather [hbm4b:s3+s10], $0x1, v1, vm0, $0x4038;
	v1 =	vshll.u32 v2, $0x7;
	v2 =	vadd.s32 v6, v3;
	[tilespmem:$0x4000] =	vst v63  }
0x3d: {  	s16 =	simm.s32 $0x20;
	s15 =	sor.u32 $0x2000, s15;
	s17 =	sadd.s32 $0x10, s17;
	vm1 =	veq.s32 v0, $0x80000000;
	v1 =	vand.u32 $0x380, v1;
	v2 =	vadd.s32 v4, v2  }
.LBB2_3:
0x3e: {  	v3 =	vld.msk [tilespmem:s17+$0x0 ss:$0x1], $0xffff;
	v4 =	vshrl.u32 v0, $0x3;
	v5 =	vshrl.u32 v0, $0x8;
	v1 =	vor.u32 v1, v2;
	s16 =	sadd.s32 $0x10, s16  }
0x3f: {  	v0 =	vshll.u32 v0, $0x15;
	v2 =	vand.u32 $0x1F, v4;
	v4 =	vand.u32 $0xFFFF, v5;
	p1 =	slt.u32 s16, $0xFF0  }
.Ltmp3:
0x40: {  	v0 =	vand.u32 $0xE00000, v0;
	v2 =	vsel vm1, $0xFFFFFFFF, v2;
	v4 =	vsel vm1, $0xFFFFFFFF, v4;
	(pc) =	sbr.rel @p1 .LBB2_3-.Ltmp3, $4  }
0x41: {  	v0 =	vsel vm1, $0xFFE00000, v0;
	v5 =	vand.u32 $0x7F, v4;
	v6 =	vshll.u32 v2, $0x10  }
0x42: {  	s14 =	sadd.s32 $0x10, s14;
	v4 =	vshll.u32 v4, $0x3;
	v6 =	vand.u32 $0xFFF80000, v6;
	v7 =	vor.u32 v0, v5;
	(ifvalue) =	ssetifvalue $0x7FFFFFFF  }
0x43: {  	v2 =	vshll.u32 v2, $0x7;
	v4 =	vand.u32 $0xFFFFFC00, v4;
	v5 =	vadd.s32 v6, v7;
	[tilespmem:s14], [sflag:$0x1] =	stream.indirect_vreg.gather [hbm4b:s3+s10], $0x1, v1, vm0, $0x4038;
	[tilespmem:$0x4000] =	vst v63  }
0x44: {  	s17 =	sadd.s32 $0x10, s17;
	vm1 =	veq.s32 v3, $0x80000000;
	v1 =	vand.u32 $0x380, v2;
	v0 =	vmovc v3;
	v2 =	vadd.s32 v4, v5  }
.Ltmp4:
0x45: {  	_ = 	snop;
	(pc) =	sbr.rel .LBB2_4-.Ltmp4, $1  }
0x46: {  	_ =	sdelay $0x3  }
.LBB2_6:
0x47: {  	_ =	sfence.sel $0x180000  }
0x48: {  	s2 =	simm.s32 $0x2;
	[bflag:$0x0] =	sbarrier.arrive $0xFFFF  }
0x49: {  	s30 =	simm.s32 $0x3;
	[sflag:s2] =	ssyncpa.u1 $0x1  }
0x4a: {  	s31 =	simm.s32 $0x1;
	[sflag:s30] =	ssyncpa.u1 $0x1  }
0x4b: {  	[sflag:s31] =	ssyncpa.u1 $0x1  }
0x4c: {  	p0 =	sne.s32 s1, $0x0;
	_ =	strace $0x90000047  }
0x4d: {  	s0 =	sadd.s32 @!p0 $0x100000, s0;
	[bflag:$0x2] =	sbarrier.arrive $0xFFFF  }
0x4e: {  	[sflag:s0] =	ssyncadd.tile.s32 @!p0 $0x1;
	_ =	shalt  }
.Lfunc_end2:
_tile_overlayer_lowered:
.L_overlay_start_2:
0x4f: {  	(tag) =	ssettag $0x2  }
0x50: {  	s0 =	rddreg [dreg:$0x0];
	s2 =	stileid.u32  }
0x51: {  	s1 =	rddreg [dreg:$0x1];
	p0 =	sne.s32 s2, $0x0  }
0x52: {  	s3 =	rddreg [dreg:$0x2];
	[bflag:$0x3] =	sbarrier.arrive $0xFFFF;
	s2 =	simm.s32 @!p0 $0x1C01  }
0x53: {  	[timem:s3], [sflag:s2] =	dma.local @!p0 [hbm:s0], s1  }
0x54: {  	s0 =	simm.s32 @!p0 $0x1  }
0x55: {  	_ =	swait.ge @!p0 [sflag:s0], s1  }
0x56: {  	s1 =	ssub.s32 @!p0 $0x0, s1;
	[sflag:s0] =	ssyncset.done @!p0 $0x0  }
0x57: {  	[sflag:s0] =	ssyncadd.s32 @!p0 s1  }
0x58: {  	[bflag:$0x3] =	sbarrier.arrive $0xFFFF  }
0x59: {  	_ =	shalt  }

</sc_bundles>
